<compile_context>
chip_gen: v7x
topology: tpu7x:2x2x1
jax: 0.10.2.dev20260603
libtpu: 0.0.44.dev20260713+nightly
codegen_flags: <defaults>
</compile_context>

<pallas_src>
import functools

import jax
import jax.numpy as jnp
from jax import lax
from jax.experimental import pallas as pl
from jax.experimental.pallas import tpu as pltpu
from jax.experimental.pallas import tpu_sc as plsc

B, N, C = 8, 20000, 80
LANES = 16
CHUNK = 10 * LANES


def _logits_kernel(logits_ref, cent_ref, logits_out_ref):
    logits_out_ref[...] = jnp.sqrt(logits_ref[...] * cent_ref[...])


def _boxes_sc_kernel(rt_hbm, pt_hbm, out_hbm, r_v, p_v, o_v):
    c = lax.axis_index("c")
    s = lax.axis_index("s")
    w = s * 2 + c
    b = w // 4
    k = w % 4
    pltpu.sync_copy(rt_hbm.at[b, k], r_v)
    pltpu.sync_copy(pt_hbm.at[k % 2], p_v)
    sign = jnp.where(k >= 2, 1.0, -1.0).astype(jnp.float32)
    sv = lax.broadcast_in_dim(sign, (LANES,), ())

    def body(i, carry):
        base = i * CHUNK
        for j in range(CHUNK // LANES):
            sl = pl.ds(base + j * LANES, LANES)
            o_v[sl] = jnp.clip(p_v[sl] + sv * r_v[sl], 0.0, 1.0)
        return carry

    lax.fori_loop(0, N // CHUNK, body, 0)
    pltpu.sync_copy(o_v, out_hbm.at[b, k])


def _boxes_sc(rt, pt):
    mesh = plsc.VectorSubcoreMesh(core_axis_name="c", subcore_axis_name="s")
    kern = functools.partial(
        pl.kernel,
        mesh=mesh,
        out_type=jax.ShapeDtypeStruct((B, 4, N), jnp.float32),
        scratch_types=[
            pltpu.VMEM((N,), jnp.float32),
            pltpu.VMEM((N,), jnp.float32),
            pltpu.VMEM((N,), jnp.float32),
        ],
    )(_boxes_sc_kernel)
    return kern(rt, pt)


def kernel(logits, regress, points, centerness):
    lt = jnp.transpose(logits, (0, 2, 1))
    rt = jnp.transpose(regress, (0, 2, 1))
    pt = jnp.transpose(points, (1, 0))
    ct = jnp.transpose(centerness, (0, 2, 1))

    boxes_t = _boxes_sc(rt, pt)

    logits_t = pl.pallas_call(
        _logits_kernel,
        grid=(B,),
        in_specs=[
            pl.BlockSpec((1, C, N), lambda b: (b, 0, 0)),
            pl.BlockSpec((1, 1, N), lambda b: (b, 0, 0)),
        ],
        out_specs=pl.BlockSpec((1, C, N), lambda b: (b, 0, 0)),
        out_shape=jax.ShapeDtypeStruct((B, C, N), jnp.float32),
        compiler_params=pltpu.CompilerParams(
            dimension_semantics=("parallel",),
        ),
    )(lt, ct)
    return (jnp.transpose(logits_t, (0, 2, 1)), jnp.transpose(boxes_t, (0, 2, 1)))

# --- scband reference (transcript-rebuilt; emitter-appended) ---
"""Pipeline reference for scband-filter-detection-15375982920328 (READ-ONLY COPY).

The authoritative reference and input builder live on the scoring server;
editing this copy changes nothing except your own understanding.
"""

import jax, jax.numpy as jnp
import numpy as np


def offset2bbox(points, regress):
    # FCOS-style decode: points[N,2] are (px,py) centers, regress[B,N,4] are (l,t,r,b) distances
    px = points[..., 0]
    py = points[..., 1]
    x1 = px - regress[..., 0]
    y1 = py - regress[..., 1]
    x2 = px + regress[..., 2]
    y2 = py + regress[..., 3]
    return jnp.stack([x1, y1, x2, y2], axis=-1)


def setup_inputs(seed: int = 0) -> dict:
    key = jax.random.key(seed)
    k1, k2, k3, k4 = jax.random.split(key, 4)
    B, N, C = 8, 20000, 80
    logits = jax.random.uniform(k1, (B, N, C), dtype=jnp.float32, minval=0.01, maxval=1.0)
    regress = jax.random.uniform(k2, (B, N, 4), dtype=jnp.float32)
    points = jax.random.uniform(k3, (N, 2), dtype=jnp.float32)
    centerness = jax.random.uniform(k4, (B, N, 1), dtype=jnp.float32, minval=0.01, maxval=1.0)
    return {"logits": logits, "regress": regress, "points": points, "centerness": centerness}


def reference(logits, regress, points, centerness):
    # FilterDetection.call with tensorrt=True branch (non-list inputs, centerness provided)
    logits = jnp.multiply(logits, centerness)
    logits = jnp.sqrt(logits)
    boxes = offset2bbox(points, regress)
    boxes = jnp.clip(boxes, 0.0, 1.0)
    return (logits, boxes)

if __name__ == "__main__":
    import jax
    _d = setup_inputs()
    print(jax.jit(kernel)(*tuple(_d.values())))

</pallas_src>

<mosaic_0001>
#map = affine_map<(d0, d1) -> (0, 0, 0)>
#map1 = affine_map<(d0, d1) -> (0, 0)>
module attributes {stable_mosaic.version = 14 : i64} {
  func.func @_boxes_sc_kernel(%arg0: i32, %arg1: i32, %arg2: memref<8x4x20000xf32, #tpu.memory_space<hbm>>, %arg3: memref<2x20000xf32, #tpu.memory_space<hbm>>, %arg4: memref<8x4x20000xf32, #tpu.memory_space<hbm>>, %arg5: memref<20000xf32, #tpu.memory_space<vmem>>, %arg6: memref<20000xf32, #tpu.memory_space<vmem>>, %arg7: memref<20000xf32, #tpu.memory_space<vmem>>) attributes {dimension_semantics = [#tpu.dimension_semantics<core_parallel>, #tpu.dimension_semantics<subcore_parallel>], iteration_bounds = array<i64: 2, 16>, scalar_prefetch = 0 : i64, scratch_operands = 3 : i64, tpu.core_type = #tpu.core_type<sc_vector_subcore>, window_params = [{transform_indices = #map}, {transform_indices = #map1}, {transform_indices = #map}]} {
    %mul3A = arith.constant 2 : i32
    %mul3A_0 = arith.muli %arg1, %mul3A : i32
    %add3A = arith.addi %mul3A_0, %arg0 : i32
    %jit3A = arith.constant 4 : i32
    %div3A = arith.divsi %add3A, %jit3A : i32
    %sign3A = arith.constant 0 : i32
    %sign3A_1 = arith.cmpi sgt, %add3A, %sign3A : i32
    %sign3A_2 = arith.extui %sign3A_1 : i1 to i32
    %sign3A_3 = arith.constant 0 : i32
    %sign3A_4 = arith.cmpi slt, %add3A, %sign3A_3 : i32
    %sign3A_5 = arith.extui %sign3A_4 : i1 to i32
    %sign3A_6 = arith.subi %sign3A_2, %sign3A_5 : i32
    %sign3A_7 = arith.constant 0 : i32
    %sign3A_8 = arith.cmpi sgt, %jit3A, %sign3A_7 : i32
    %sign3A_9 = arith.extui %sign3A_8 : i1 to i32
    %sign3A_10 = arith.constant 0 : i32
    %sign3A_11 = arith.cmpi slt, %jit3A, %sign3A_10 : i32
    %sign3A_12 = arith.extui %sign3A_11 : i1 to i32
    %sign3A_13 = arith.subi %sign3A_9, %sign3A_12 : i32
    %ne3A = arith.cmpi ne, %sign3A_6, %sign3A_13 : i32
    %rem3A = arith.remsi %add3A, %jit3A : i32
    %ne3A_14 = arith.constant 0 : i32
    %ne3A_15 = arith.cmpi ne, %rem3A, %ne3A_14 : i32
    %and3A = arith.andi %ne3A, %ne3A_15 : i1
    %sub3A = arith.constant 1 : i32
    %sub3A_16 = arith.subi %div3A, %sub3A : i32
    %select_n3A = arith.select %and3A, %sub3A_16, %div3A : i32
    %jit3A_17 = arith.constant 4 : i32
    %eq3A = arith.constant 0 : i32
    %eq3A_18 = arith.cmpi eq, %jit3A_17, %eq3A : i32
    %jit3A_19 = arith.constant 1 : i32
    %select_n3A_20 = arith.select %eq3A_18, %jit3A_19, %jit3A_17 : i32
    %rem3A_21 = arith.remsi %add3A, %select_n3A_20 : i32
    %ne3A_22 = arith.constant 0 : i32
    %ne3A_23 = arith.cmpi ne, %rem3A_21, %ne3A_22 : i32
    %lt3A = arith.constant 0 : i32
    %lt3A_24 = arith.cmpi slt, %rem3A_21, %lt3A : i32
    %lt3A_25 = arith.constant 0 : i32
    %lt3A_26 = arith.cmpi slt, %select_n3A_20, %lt3A_25 : i32
    %ne3A_27 = arith.xori %lt3A_24, %lt3A_26 : i1
    %and3A_28 = arith.andi %ne3A_27, %ne3A_23 : i1
    %add3A_29 = arith.addi %rem3A_21, %select_n3A_20 : i32
    %select_n3A_30 = arith.select %and3A_28, %add3A_29, %rem3A_21 : i32
    "tpu.region"() ({
      %run_scoped3A = tpu.sem_alloc : memref<!tpu.dma_semaphore, #tpu.memory_space<semaphore_mem>>
      %dma_start3A = arith.constant 0 : i32
      %dma_start3A_56 = tpu.memref_slice %arg2[%select_n3A, %select_n3A_30, %dma_start3A] : memref<8x4x20000xf32, #tpu.memory_space<hbm>> -> memref<1x1x20000xf32, #tpu.memory_space<hbm>>
      %dma_start3A_57 = tpu.memref_squeeze %dma_start3A_56 : memref<1x1x20000xf32, #tpu.memory_space<hbm>> -> memref<20000xf32, #tpu.memory_space<hbm>>
      %dma_start3A_58 = arith.constant 0 : i32
      %dma_start3A_59 = tpu.memref_slice %arg2[%select_n3A, %select_n3A_30, %dma_start3A_58] : memref<8x4x20000xf32, #tpu.memory_space<hbm>> -> memref<1x1x20000xf32, #tpu.memory_space<hbm>>
      %dma_start3A_60 = tpu.memref_squeeze %dma_start3A_59 : memref<1x1x20000xf32, #tpu.memory_space<hbm>> -> memref<20000xf32, #tpu.memory_space<hbm>>
      tpu.enqueue_dma source(%dma_start3A_60 : memref<20000xf32, #tpu.memory_space<hbm>>) target(%arg5 : memref<20000xf32, #tpu.memory_space<vmem>>) target_semaphore(%run_scoped3A : memref<!tpu.dma_semaphore, #tpu.memory_space<semaphore_mem>>)
      %dma_wait3A = arith.constant 0 : i32
      %dma_wait3A_61 = tpu.memref_slice %arg2[%select_n3A, %select_n3A_30, %dma_wait3A] : memref<8x4x20000xf32, #tpu.memory_space<hbm>> -> memref<1x1x20000xf32, #tpu.memory_space<hbm>>
      %dma_wait3A_62 = tpu.memref_squeeze %dma_wait3A_61 : memref<1x1x20000xf32, #tpu.memory_space<hbm>> -> memref<20000xf32, #tpu.memory_space<hbm>>
      %dma_wait3A_63 = arith.constant 0 : i32
      %dma_wait3A_64 = tpu.memref_slice %arg2[%select_n3A, %select_n3A_30, %dma_wait3A_63] : memref<8x4x20000xf32, #tpu.memory_space<hbm>> -> memref<1x1x20000xf32, #tpu.memory_space<hbm>>
      %dma_wait3A_65 = tpu.memref_squeeze %dma_wait3A_64 : memref<1x1x20000xf32, #tpu.memory_space<hbm>> -> memref<20000xf32, #tpu.memory_space<hbm>>
      tpu.wait_dma2 semaphore(%run_scoped3A : memref<!tpu.dma_semaphore, #tpu.memory_space<semaphore_mem>>) src(%dma_wait3A_65 : memref<20000xf32, #tpu.memory_space<hbm>>) dst(%arg5 : memref<20000xf32, #tpu.memory_space<vmem>>)
      tpu.yield
    }) : () -> ()
    %jit3A_31 = arith.constant 2 : i32
    %eq3A_32 = arith.constant 0 : i32
    %eq3A_33 = arith.cmpi eq, %jit3A_31, %eq3A_32 : i32
    %jit3A_34 = arith.constant 1 : i32
    %select_n3A_35 = arith.select %eq3A_33, %jit3A_34, %jit3A_31 : i32
    %rem3A_36 = arith.remsi %select_n3A_30, %select_n3A_35 : i32
    %ne3A_37 = arith.constant 0 : i32
    %ne3A_38 = arith.cmpi ne, %rem3A_36, %ne3A_37 : i32
    %lt3A_39 = arith.constant 0 : i32
    %lt3A_40 = arith.cmpi slt, %rem3A_36, %lt3A_39 : i32
    %lt3A_41 = arith.constant 0 : i32
    %lt3A_42 = arith.cmpi slt, %select_n3A_35, %lt3A_41 : i32
    %ne3A_43 = arith.xori %lt3A_40, %lt3A_42 : i1
    %and3A_44 = arith.andi %ne3A_43, %ne3A_38 : i1
    %add3A_45 = arith.addi %rem3A_36, %select_n3A_35 : i32
    %select_n3A_46 = arith.select %and3A_44, %add3A_45, %rem3A_36 : i32
    "tpu.region"() ({
      %run_scoped3A = tpu.sem_alloc : memref<!tpu.dma_semaphore, #tpu.memory_space<semaphore_mem>>
      %dma_start3A = arith.constant 0 : i32
      %dma_start3A_56 = tpu.memref_slice %arg3[%select_n3A_46, %dma_start3A] : memref<2x20000xf32, #tpu.memory_space<hbm>> -> memref<1x20000xf32, #tpu.memory_space<hbm>>
      %dma_start3A_57 = tpu.memref_squeeze %dma_start3A_56 : memref<1x20000xf32, #tpu.memory_space<hbm>> -> memref<20000xf32, #tpu.memory_space<hbm>>
      %dma_start3A_58 = arith.constant 0 : i32
      %dma_start3A_59 = tpu.memref_slice %arg3[%select_n3A_46, %dma_start3A_58] : memref<2x20000xf32, #tpu.memory_space<hbm>> -> memref<1x20000xf32, #tpu.memory_space<hbm>>
      %dma_start3A_60 = tpu.memref_squeeze %dma_start3A_59 : memref<1x20000xf32, #tpu.memory_space<hbm>> -> memref<20000xf32, #tpu.memory_space<hbm>>
      tpu.enqueue_dma source(%dma_start3A_60 : memref<20000xf32, #tpu.memory_space<hbm>>) target(%arg6 : memref<20000xf32, #tpu.memory_space<vmem>>) target_semaphore(%run_scoped3A : memref<!tpu.dma_semaphore, #tpu.memory_space<semaphore_mem>>)
      %dma_wait3A = arith.constant 0 : i32
      %dma_wait3A_61 = tpu.memref_slice %arg3[%select_n3A_46, %dma_wait3A] : memref<2x20000xf32, #tpu.memory_space<hbm>> -> memref<1x20000xf32, #tpu.memory_space<hbm>>
      %dma_wait3A_62 = tpu.memref_squeeze %dma_wait3A_61 : memref<1x20000xf32, #tpu.memory_space<hbm>> -> memref<20000xf32, #tpu.memory_space<hbm>>
      %dma_wait3A_63 = arith.constant 0 : i32
      %dma_wait3A_64 = tpu.memref_slice %arg3[%select_n3A_46, %dma_wait3A_63] : memref<2x20000xf32, #tpu.memory_space<hbm>> -> memref<1x20000xf32, #tpu.memory_space<hbm>>
      %dma_wait3A_65 = tpu.memref_squeeze %dma_wait3A_64 : memref<1x20000xf32, #tpu.memory_space<hbm>> -> memref<20000xf32, #tpu.memory_space<hbm>>
      tpu.wait_dma2 semaphore(%run_scoped3A : memref<!tpu.dma_semaphore, #tpu.memory_space<semaphore_mem>>) src(%dma_wait3A_65 : memref<20000xf32, #tpu.memory_space<hbm>>) dst(%arg6 : memref<20000xf32, #tpu.memory_space<vmem>>)
      tpu.yield
    }) : () -> ()
    %ge3A = arith.constant 2 : i32
    %ge3A_47 = arith.cmpi sge, %select_n3A_30, %ge3A : i32
    %jit3A_48 = arith.constant 1.000000e+00 : f32
    %jit3A_49 = arith.constant -1.000000e+00 : f32
    %select_n3A_50 = arith.select %ge3A_47, %jit3A_48, %jit3A_49 : f32
    %broadcast_in_dim3A = vector.broadcast %select_n3A_50 : f32 to vector<16xf32>
    %scan3A = arith.constant 0 : i32
    %scan3A_51 = arith.constant 0 : i32
    %scan3A_52 = arith.constant 125 : i32
    %scan3A_53 = arith.addi %scan3A_51, %scan3A_52 : i32
    %scan3A_54 = arith.constant 1 : i32
    scf.for %scan3A_56 = %scan3A_51 to %scan3A_53 step %scan3A_54  : i32 {
      %mul3A_57 = arith.constant 160 : i32
      %mul3A_58 = arith.muli %scan3A_56, %mul3A_57 : i32
      %add3A_59 = arith.constant 0 : i32
      %add3A_60 = arith.addi %mul3A_58, %add3A_59 : i32
      %get3A = arith.index_cast %add3A_60 : i32 to index
      %get3A_61 = tpu.vector_load %arg6[%get3A] {strides = array<i32>} : memref<20000xf32, #tpu.memory_space<vmem>>, vector<16xf32>,
      %get3A_62 = vector.shape_cast %get3A_61 : vector<16xf32> to vector<16xf32>
      %get3A_63 = arith.index_cast %add3A_60 : i32 to index
      %get3A_64 = tpu.vector_load %arg5[%get3A_63] {strides = array<i32>} : memref<20000xf32, #tpu.memory_space<vmem>>, vector<16xf32>,
      %get3A_65 = vector.shape_cast %get3A_64 : vector<16xf32> to vector<16xf32>
      %mul3A_66 = arith.mulf %broadcast_in_dim3A, %get3A_65 : vector<16xf32>
      %add3A_67 = arith.addf %get3A_62, %mul3A_66 : vector<16xf32>
      %jit3A_68 = arith.constant 0.000000e+00 : f32
      %jit3A_69 = arith.constant 1.000000e+00 : f32
      %max3A = vector.broadcast %jit3A_68 : f32 to vector<16xf32>
      %max3A_70 = arith.maximumf %max3A, %add3A_67 : vector<16xf32>
      %min3A = vector.broadcast %jit3A_69 : f32 to vector<16xf32>
      %min3A_71 = arith.minimumf %min3A, %max3A_70 : vector<16xf32>
      %swap3A = arith.index_cast %add3A_60 : i32 to index
      %swap3A_72 = tpu.vector_load %arg7[%swap3A] {strides = array<i32>} : memref<20000xf32, #tpu.memory_space<vmem>>, vector<16xf32>,
      %swap3A_73 = vector.shape_cast %swap3A_72 : vector<16xf32> to vector<16xf32>
      %swap3A_74 = vector.shape_cast %min3A_71 : vector<16xf32> to vector<16xf32>
      tpu.vector_store %arg7[%swap3A], %swap3A_74 {strides = array<i32>} : memref<20000xf32, #tpu.memory_space<vmem>>, vector<16xf32>,
      %add3A_75 = arith.constant 16 : i32
      %add3A_76 = arith.addi %mul3A_58, %add3A_75 : i32
      %get3A_77 = arith.index_cast %add3A_76 : i32 to index
      %get3A_78 = tpu.vector_load %arg6[%get3A_77] {strides = array<i32>} : memref<20000xf32, #tpu.memory_space<vmem>>, vector<16xf32>,
      %get3A_79 = vector.shape_cast %get3A_78 : vector<16xf32> to vector<16xf32>
      %get3A_80 = arith.index_cast %add3A_76 : i32 to index
      %get3A_81 = tpu.vector_load %arg5[%get3A_80] {strides = array<i32>} : memref<20000xf32, #tpu.memory_space<vmem>>, vector<16xf32>,
      %get3A_82 = vector.shape_cast %get3A_81 : vector<16xf32> to vector<16xf32>
      %mul3A_83 = arith.mulf %broadcast_in_dim3A, %get3A_82 : vector<16xf32>
      %add3A_84 = arith.addf %get3A_79, %mul3A_83 : vector<16xf32>
      %jit3A_85 = arith.constant 0.000000e+00 : f32
      %jit3A_86 = arith.constant 1.000000e+00 : f32
      %max3A_87 = vector.broadcast %jit3A_85 : f32 to vector<16xf32>
      %max3A_88 = arith.maximumf %max3A_87, %add3A_84 : vector<16xf32>
      %min3A_89 = vector.broadcast %jit3A_86 : f32 to vector<16xf32>
      %min3A_90 = arith.minimumf %min3A_89, %max3A_88 : vector<16xf32>
      %swap3A_91 = arith.index_cast %add3A_76 : i32 to index
      %swap3A_92 = tpu.vector_load %arg7[%swap3A_91] {strides = array<i32>} : memref<20000xf32, #tpu.memory_space<vmem>>, vector<16xf32>,
      %swap3A_93 = vector.shape_cast %swap3A_92 : vector<16xf32> to vector<16xf32>
      %swap3A_94 = vector.shape_cast %min3A_90 : vector<16xf32> to vector<16xf32>
      tpu.vector_store %arg7[%swap3A_91], %swap3A_94 {strides = array<i32>} : memref<20000xf32, #tpu.memory_space<vmem>>, vector<16xf32>,
      %add3A_95 = arith.constant 32 : i32
      %add3A_96 = arith.addi %mul3A_58, %add3A_95 : i32
      %get3A_97 = arith.index_cast %add3A_96 : i32 to index
      %get3A_98 = tpu.vector_load %arg6[%get3A_97] {strides = array<i32>} : memref<20000xf32, #tpu.memory_space<vmem>>, vector<16xf32>,
      %get3A_99 = vector.shape_cast %get3A_98 : vector<16xf32> to vector<16xf32>
      %get3A_100 = arith.index_cast %add3A_96 : i32 to index
      %get3A_101 = tpu.vector_load %arg5[%get3A_100] {strides = array<i32>} : memref<20000xf32, #tpu.memory_space<vmem>>, vector<16xf32>,
      %get3A_102 = vector.shape_cast %get3A_101 : vector<16xf32> to vector<16xf32>
      %mul3A_103 = arith.mulf %broadcast_in_dim3A, %get3A_102 : vector<16xf32>
      %add3A_104 = arith.addf %get3A_99, %mul3A_103 : vector<16xf32>
      %jit3A_105 = arith.constant 0.000000e+00 : f32
      %jit3A_106 = arith.constant 1.000000e+00 : f32
      %max3A_107 = vector.broadcast %jit3A_105 : f32 to vector<16xf32>
      %max3A_108 = arith.maximumf %max3A_107, %add3A_104 : vector<16xf32>
      %min3A_109 = vector.broadcast %jit3A_106 : f32 to vector<16xf32>
      %min3A_110 = arith.minimumf %min3A_109, %max3A_108 : vector<16xf32>
      %swap3A_111 = arith.index_cast %add3A_96 : i32 to index
      %swap3A_112 = tpu.vector_load %arg7[%swap3A_111] {strides = array<i32>} : memref<20000xf32, #tpu.memory_space<vmem>>, vector<16xf32>,
      %swap3A_113 = vector.shape_cast %swap3A_112 : vector<16xf32> to vector<16xf32>
      %swap3A_114 = vector.shape_cast %min3A_110 : vector<16xf32> to vector<16xf32>
      tpu.vector_store %arg7[%swap3A_111], %swap3A_114 {strides = array<i32>} : memref<20000xf32, #tpu.memory_space<vmem>>, vector<16xf32>,
      %add3A_115 = arith.constant 48 : i32
      %add3A_116 = arith.addi %mul3A_58, %add3A_115 : i32
      %get3A_117 = arith.index_cast %add3A_116 : i32 to index
      %get3A_118 = tpu.vector_load %arg6[%get3A_117] {strides = array<i32>} : memref<20000xf32, #tpu.memory_space<vmem>>, vector<16xf32>,
      %get3A_119 = vector.shape_cast %get3A_118 : vector<16xf32> to vector<16xf32>
      %get3A_120 = arith.index_cast %add3A_116 : i32 to index
      %get3A_121 = tpu.vector_load %arg5[%get3A_120] {strides = array<i32>} : memref<20000xf32, #tpu.memory_space<vmem>>, vector<16xf32>,
      %get3A_122 = vector.shape_cast %get3A_121 : vector<16xf32> to vector<16xf32>
      %mul3A_123 = arith.mulf %broadcast_in_dim3A, %get3A_122 : vector<16xf32>
      %add3A_124 = arith.addf %get3A_119, %mul3A_123 : vector<16xf32>
      %jit3A_125 = arith.constant 0.000000e+00 : f32
      %jit3A_126 = arith.constant 1.000000e+00 : f32
      %max3A_127 = vector.broadcast %jit3A_125 : f32 to vector<16xf32>
      %max3A_128 = arith.maximumf %max3A_127, %add3A_124 : vector<16xf32>
      %min3A_129 = vector.broadcast %jit3A_126 : f32 to vector<16xf32>
      %min3A_130 = arith.minimumf %min3A_129, %max3A_128 : vector<16xf32>
      %swap3A_131 = arith.index_cast %add3A_116 : i32 to index
      %swap3A_132 = tpu.vector_load %arg7[%swap3A_131] {strides = array<i32>} : memref<20000xf32, #tpu.memory_space<vmem>>, vector<16xf32>,
      %swap3A_133 = vector.shape_cast %swap3A_132 : vector<16xf32> to vector<16xf32>
      %swap3A_134 = vector.shape_cast %min3A_130 : vector<16xf32> to vector<16xf32>
      tpu.vector_store %arg7[%swap3A_131], %swap3A_134 {strides = array<i32>} : memref<20000xf32, #tpu.memory_space<vmem>>, vector<16xf32>,
      %add3A_135 = arith.constant 64 : i32
      %add3A_136 = arith.addi %mul3A_58, %add3A_135 : i32
      %get3A_137 = arith.index_cast %add3A_136 : i32 to index
      %get3A_138 = tpu.vector_load %arg6[%get3A_137] {strides = array<i32>} : memref<20000xf32, #tpu.memory_space<vmem>>, vector<16xf32>,
      %get3A_139 = vector.shape_cast %get3A_138 : vector<16xf32> to vector<16xf32>
      %get3A_140 = arith.index_cast %add3A_136 : i32 to index
      %get3A_141 = tpu.vector_load %arg5[%get3A_140] {strides = array<i32>} : memref<20000xf32, #tpu.memory_space<vmem>>, vector<16xf32>,
      %get3A_142 = vector.shape_cast %get3A_141 : vector<16xf32> to vector<16xf32>
      %mul3A_143 = arith.mulf %broadcast_in_dim3A, %get3A_142 : vector<16xf32>
      %add3A_144 = arith.addf %get3A_139, %mul3A_143 : vector<16xf32>
      %jit3A_145 = arith.constant 0.000000e+00 : f32
      %jit3A_146 = arith.constant 1.000000e+00 : f32
      %max3A_147 = vector.broadcast %jit3A_145 : f32 to vector<16xf32>
      %max3A_148 = arith.maximumf %max3A_147, %add3A_144 : vector<16xf32>
      %min3A_149 = vector.broadcast %jit3A_146 : f32 to vector<16xf32>
      %min3A_150 = arith.minimumf %min3A_149, %max3A_148 : vector<16xf32>
      %swap3A_151 = arith.index_cast %add3A_136 : i32 to index
      %swap3A_152 = tpu.vector_load %arg7[%swap3A_151] {strides = array<i32>} : memref<20000xf32, #tpu.memory_space<vmem>>, vector<16xf32>,
      %swap3A_153 = vector.shape_cast %swap3A_152 : vector<16xf32> to vector<16xf32>
      %swap3A_154 = vector.shape_cast %min3A_150 : vector<16xf32> to vector<16xf32>
      tpu.vector_store %arg7[%swap3A_151], %swap3A_154 {strides = array<i32>} : memref<20000xf32, #tpu.memory_space<vmem>>, vector<16xf32>,
      %add3A_155 = arith.constant 80 : i32
      %add3A_156 = arith.addi %mul3A_58, %add3A_155 : i32
      %get3A_157 = arith.index_cast %add3A_156 : i32 to index
      %get3A_158 = tpu.vector_load %arg6[%get3A_157] {strides = array<i32>} : memref<20000xf32, #tpu.memory_space<vmem>>, vector<16xf32>,
      %get3A_159 = vector.shape_cast %get3A_158 : vector<16xf32> to vector<16xf32>
      %get3A_160 = arith.index_cast %add3A_156 : i32 to index
      %get3A_161 = tpu.vector_load %arg5[%get3A_160] {strides = array<i32>} : memref<20000xf32, #tpu.memory_space<vmem>>, vector<16xf32>,
      %get3A_162 = vector.shape_cast %get3A_161 : vector<16xf32> to vector<16xf32>
      %mul3A_163 = arith.mulf %broadcast_in_dim3A, %get3A_162 : vector<16xf32>
      %add3A_164 = arith.addf %get3A_159, %mul3A_163 : vector<16xf32>
      %jit3A_165 = arith.constant 0.000000e+00 : f32
      %jit3A_166 = arith.constant 1.000000e+00 : f32
      %max3A_167 = vector.broadcast %jit3A_165 : f32 to vector<16xf32>
      %max3A_168 = arith.maximumf %max3A_167, %add3A_164 : vector<16xf32>
      %min3A_169 = vector.broadcast %jit3A_166 : f32 to vector<16xf32>
      %min3A_170 = arith.minimumf %min3A_169, %max3A_168 : vector<16xf32>
      %swap3A_171 = arith.index_cast %add3A_156 : i32 to index
      %swap3A_172 = tpu.vector_load %arg7[%swap3A_171] {strides = array<i32>} : memref<20000xf32, #tpu.memory_space<vmem>>, vector<16xf32>,
      %swap3A_173 = vector.shape_cast %swap3A_172 : vector<16xf32> to vector<16xf32>
      %swap3A_174 = vector.shape_cast %min3A_170 : vector<16xf32> to vector<16xf32>
      tpu.vector_store %arg7[%swap3A_171], %swap3A_174 {strides = array<i32>} : memref<20000xf32, #tpu.memory_space<vmem>>, vector<16xf32>,
      %add3A_175 = arith.constant 96 : i32
      %add3A_176 = arith.addi %mul3A_58, %add3A_175 : i32
      %get3A_177 = arith.index_cast %add3A_176 : i32 to index
      %get3A_178 = tpu.vector_load %arg6[%get3A_177] {strides = array<i32>} : memref<20000xf32, #tpu.memory_space<vmem>>, vector<16xf32>,
      %get3A_179 = vector.shape_cast %get3A_178 : vector<16xf32> to vector<16xf32>
      %get3A_180 = arith.index_cast %add3A_176 : i32 to index
      %get3A_181 = tpu.vector_load %arg5[%get3A_180] {strides = array<i32>} : memref<20000xf32, #tpu.memory_space<vmem>>, vector<16xf32>,
      %get3A_182 = vector.shape_cast %get3A_181 : vector<16xf32> to vector<16xf32>
      %mul3A_183 = arith.mulf %broadcast_in_dim3A, %get3A_182 : vector<16xf32>
      %add3A_184 = arith.addf %get3A_179, %mul3A_183 : vector<16xf32>
      %jit3A_185 = arith.constant 0.000000e+00 : f32
      %jit3A_186 = arith.constant 1.000000e+00 : f32
      %max3A_187 = vector.broadcast %jit3A_185 : f32 to vector<16xf32>
      %max3A_188 = arith.maximumf %max3A_187, %add3A_184 : vector<16xf32>
      %min3A_189 = vector.broadcast %jit3A_186 : f32 to vector<16xf32>
      %min3A_190 = arith.minimumf %min3A_189, %max3A_188 : vector<16xf32>
      %swap3A_191 = arith.index_cast %add3A_176 : i32 to index
      %swap3A_192 = tpu.vector_load %arg7[%swap3A_191] {strides = array<i32>} : memref<20000xf32, #tpu.memory_space<vmem>>, vector<16xf32>,
      %swap3A_193 = vector.shape_cast %swap3A_192 : vector<16xf32> to vector<16xf32>
      %swap3A_194 = vector.shape_cast %min3A_190 : vector<16xf32> to vector<16xf32>
      tpu.vector_store %arg7[%swap3A_191], %swap3A_194 {strides = array<i32>} : memref<20000xf32, #tpu.memory_space<vmem>>, vector<16xf32>,
      %add3A_195 = arith.constant 112 : i32
      %add3A_196 = arith.addi %mul3A_58, %add3A_195 : i32
      %get3A_197 = arith.index_cast %add3A_196 : i32 to index
      %get3A_198 = tpu.vector_load %arg6[%get3A_197] {strides = array<i32>} : memref<20000xf32, #tpu.memory_space<vmem>>, vector<16xf32>,
      %get3A_199 = vector.shape_cast %get3A_198 : vector<16xf32> to vector<16xf32>
      %get3A_200 = arith.index_cast %add3A_196 : i32 to index
      %get3A_201 = tpu.vector_load %arg5[%get3A_200] {strides = array<i32>} : memref<20000xf32, #tpu.memory_space<vmem>>, vector<16xf32>,
      %get3A_202 = vector.shape_cast %get3A_201 : vector<16xf32> to vector<16xf32>
      %mul3A_203 = arith.mulf %broadcast_in_dim3A, %get3A_202 : vector<16xf32>
      %add3A_204 = arith.addf %get3A_199, %mul3A_203 : vector<16xf32>
      %jit3A_205 = arith.constant 0.000000e+00 : f32
      %jit3A_206 = arith.constant 1.000000e+00 : f32
      %max3A_207 = vector.broadcast %jit3A_205 : f32 to vector<16xf32>
      %max3A_208 = arith.maximumf %max3A_207, %add3A_204 : vector<16xf32>
      %min3A_209 = vector.broadcast %jit3A_206 : f32 to vector<16xf32>
      %min3A_210 = arith.minimumf %min3A_209, %max3A_208 : vector<16xf32>
      %swap3A_211 = arith.index_cast %add3A_196 : i32 to index
      %swap3A_212 = tpu.vector_load %arg7[%swap3A_211] {strides = array<i32>} : memref<20000xf32, #tpu.memory_space<vmem>>, vector<16xf32>,
      %swap3A_213 = vector.shape_cast %swap3A_212 : vector<16xf32> to vector<16xf32>
      %swap3A_214 = vector.shape_cast %min3A_210 : vector<16xf32> to vector<16xf32>
      tpu.vector_store %arg7[%swap3A_211], %swap3A_214 {strides = array<i32>} : memref<20000xf32, #tpu.memory_space<vmem>>, vector<16xf32>,
      %add3A_215 = arith.constant 128 : i32
      %add3A_216 = arith.addi %mul3A_58, %add3A_215 : i32
      %get3A_217 = arith.index_cast %add3A_216 : i32 to index
      %get3A_218 = tpu.vector_load %arg6[%get3A_217] {strides = array<i32>} : memref<20000xf32, #tpu.memory_space<vmem>>, vector<16xf32>,
      %get3A_219 = vector.shape_cast %get3A_218 : vector<16xf32> to vector<16xf32>
      %get3A_220 = arith.index_cast %add3A_216 : i32 to index
      %get3A_221 = tpu.vector_load %arg5[%get3A_220] {strides = array<i32>} : memref<20000xf32, #tpu.memory_space<vmem>>, vector<16xf32>,
      %get3A_222 = vector.shape_cast %get3A_221 : vector<16xf32> to vector<16xf32>
      %mul3A_223 = arith.mulf %broadcast_in_dim3A, %get3A_222 : vector<16xf32>
      %add3A_224 = arith.addf %get3A_219, %mul3A_223 : vector<16xf32>
      %jit3A_225 = arith.constant 0.000000e+00 : f32
      %jit3A_226 = arith.constant 1.000000e+00 : f32
      %max3A_227 = vector.broadcast %jit3A_225 : f32 to vector<16xf32>
      %max3A_228 = arith.maximumf %max3A_227, %add3A_224 : vector<16xf32>
      %min3A_229 = vector.broadcast %jit3A_226 : f32 to vector<16xf32>
      %min3A_230 = arith.minimumf %min3A_229, %max3A_228 : vector<16xf32>
      %swap3A_231 = arith.index_cast %add3A_216 : i32 to index
      %swap3A_232 = tpu.vector_load %arg7[%swap3A_231] {strides = array<i32>} : memref<20000xf32, #tpu.memory_space<vmem>>, vector<16xf32>,
      %swap3A_233 = vector.shape_cast %swap3A_232 : vector<16xf32> to vector<16xf32>
      %swap3A_234 = vector.shape_cast %min3A_230 : vector<16xf32> to vector<16xf32>
      tpu.vector_store %arg7[%swap3A_231], %swap3A_234 {strides = array<i32>} : memref<20000xf32, #tpu.memory_space<vmem>>, vector<16xf32>,
      %add3A_235 = arith.constant 144 : i32
      %add3A_236 = arith.addi %mul3A_58, %add3A_235 : i32
      %get3A_237 = arith.index_cast %add3A_236 : i32 to index
      %get3A_238 = tpu.vector_load %arg6[%get3A_237] {strides = array<i32>} : memref<20000xf32, #tpu.memory_space<vmem>>, vector<16xf32>,
      %get3A_239 = vector.shape_cast %get3A_238 : vector<16xf32> to vector<16xf32>
      %get3A_240 = arith.index_cast %add3A_236 : i32 to index
      %get3A_241 = tpu.vector_load %arg5[%get3A_240] {strides = array<i32>} : memref<20000xf32, #tpu.memory_space<vmem>>, vector<16xf32>,
      %get3A_242 = vector.shape_cast %get3A_241 : vector<16xf32> to vector<16xf32>
      %mul3A_243 = arith.mulf %broadcast_in_dim3A, %get3A_242 : vector<16xf32>
      %add3A_244 = arith.addf %get3A_239, %mul3A_243 : vector<16xf32>
      %jit3A_245 = arith.constant 0.000000e+00 : f32
      %jit3A_246 = arith.constant 1.000000e+00 : f32
      %max3A_247 = vector.broadcast %jit3A_245 : f32 to vector<16xf32>
      %max3A_248 = arith.maximumf %max3A_247, %add3A_244 : vector<16xf32>
      %min3A_249 = vector.broadcast %jit3A_246 : f32 to vector<16xf32>
      %min3A_250 = arith.minimumf %min3A_249, %max3A_248 : vector<16xf32>
      %swap3A_251 = arith.index_cast %add3A_236 : i32 to index
      %swap3A_252 = tpu.vector_load %arg7[%swap3A_251] {strides = array<i32>} : memref<20000xf32, #tpu.memory_space<vmem>>, vector<16xf32>,
      %swap3A_253 = vector.shape_cast %swap3A_252 : vector<16xf32> to vector<16xf32>
      %swap3A_254 = vector.shape_cast %min3A_250 : vector<16xf32> to vector<16xf32>
      tpu.vector_store %arg7[%swap3A_251], %swap3A_254 {strides = array<i32>} : memref<20000xf32, #tpu.memory_space<vmem>>, vector<16xf32>,
    }
    %scan3A_55 = arith.constant 125 : i32
    "tpu.region"() ({
      %run_scoped3A = tpu.sem_alloc : memref<!tpu.dma_semaphore, #tpu.memory_space<semaphore_mem>>
      %dma_start3A = arith.constant 0 : i32
      %dma_start3A_56 = tpu.memref_slice %arg4[%select_n3A, %select_n3A_30, %dma_start3A] : memref<8x4x20000xf32, #tpu.memory_space<hbm>> -> memref<1x1x20000xf32, #tpu.memory_space<hbm>>
      %dma_start3A_57 = tpu.memref_squeeze %dma_start3A_56 : memref<1x1x20000xf32, #tpu.memory_space<hbm>> -> memref<20000xf32, #tpu.memory_space<hbm>>
      %dma_start3A_58 = arith.constant 0 : i32
      %dma_start3A_59 = tpu.memref_slice %arg4[%select_n3A, %select_n3A_30, %dma_start3A_58] : memref<8x4x20000xf32, #tpu.memory_space<hbm>> -> memref<1x1x20000xf32, #tpu.memory_space<hbm>>
      %dma_start3A_60 = tpu.memref_squeeze %dma_start3A_59 : memref<1x1x20000xf32, #tpu.memory_space<hbm>> -> memref<20000xf32, #tpu.memory_space<hbm>>
      tpu.enqueue_dma source(%arg7 : memref<20000xf32, #tpu.memory_space<vmem>>) target(%dma_start3A_60 : memref<20000xf32, #tpu.memory_space<hbm>>) target_semaphore(%run_scoped3A : memref<!tpu.dma_semaphore, #tpu.memory_space<semaphore_mem>>)
      %dma_wait3A = arith.constant 0 : i32
      %dma_wait3A_61 = tpu.memref_slice %arg4[%select_n3A, %select_n3A_30, %dma_wait3A] : memref<8x4x20000xf32, #tpu.memory_space<hbm>> -> memref<1x1x20000xf32, #tpu.memory_space<hbm>>
      %dma_wait3A_62 = tpu.memref_squeeze %dma_wait3A_61 : memref<1x1x20000xf32, #tpu.memory_space<hbm>> -> memref<20000xf32, #tpu.memory_space<hbm>>
      %dma_wait3A_63 = arith.constant 0 : i32
      %dma_wait3A_64 = tpu.memref_slice %arg4[%select_n3A, %select_n3A_30, %dma_wait3A_63] : memref<8x4x20000xf32, #tpu.memory_space<hbm>> -> memref<1x1x20000xf32, #tpu.memory_space<hbm>>
      %dma_wait3A_65 = tpu.memref_squeeze %dma_wait3A_64 : memref<1x1x20000xf32, #tpu.memory_space<hbm>> -> memref<20000xf32, #tpu.memory_space<hbm>>
      tpu.wait_dma2 semaphore(%run_scoped3A : memref<!tpu.dma_semaphore, #tpu.memory_space<semaphore_mem>>) src(%arg7 : memref<20000xf32, #tpu.memory_space<vmem>>) dst(%dma_wait3A_65 : memref<20000xf32, #tpu.memory_space<hbm>>)
      tpu.yield
    }) : () -> ()
    return
  }
}

module attributes {stable_mosaic.version = 14 : i64} {
  func.func @_logits_kernel(%arg0: i32, %arg1: memref<1x80x20000xf32, #tpu.memory_space<vmem>>, %arg2: memref<1x1x20000xf32, #tpu.memory_space<vmem>>, %arg3: memref<1x80x20000xf32, #tpu.memory_space<vmem>>) attributes {dimension_semantics = [#tpu.dimension_semantics<parallel>], iteration_bounds = array<i64: 8>, scalar_prefetch = 0 : i64, scratch_operands = 0 : i64, tpu.core_type = #tpu.core_type<tc>, window_params = [{transform_indices = @transform_0, window_bounds = array<i64: 1, 80, 20000>}, {transform_indices = @transform_1, window_bounds = array<i64: 1, 1, 20000>}, {transform_indices = @transform_2, window_bounds = array<i64: 1, 80, 20000>}]} {
    %get3A = arith.constant 0 : index
    %get3A_0 = arith.constant 0 : index
    %get3A_1 = arith.constant 0 : index
    %get3A_2 = vector.load %arg1[%get3A, %get3A_0, %get3A_1] : memref<1x80x20000xf32, #tpu.memory_space<vmem>>, vector<1x80x20000xf32>
    %get3A_3 = arith.constant 0 : index
    %get3A_4 = arith.constant 0 : index
    %get3A_5 = arith.constant 0 : index
    %get3A_6 = vector.load %arg2[%get3A_3, %get3A_4, %get3A_5] : memref<1x1x20000xf32, #tpu.memory_space<vmem>>, vector<1x1x20000xf32>
    %mul3A = vector.broadcast %get3A_6 : vector<1x1x20000xf32> to vector<1x80x20000xf32>
    %mul3A_7 = arith.mulf %get3A_2, %mul3A : vector<1x80x20000xf32>
    %sqrt3A = math.sqrt %mul3A_7 : vector<1x80x20000xf32>
    %swap3A = arith.constant 0 : index
    %swap3A_8 = arith.constant 0 : index
    %swap3A_9 = arith.constant 0 : index
    %swap3A_10 = vector.load %arg3[%swap3A, %swap3A_8, %swap3A_9] : memref<1x80x20000xf32, #tpu.memory_space<vmem>>, vector<1x80x20000xf32>
    tpu.vector_store %arg3[%swap3A, %swap3A_8, %swap3A_9], %sqrt3A {strides = array<i32>} : memref<1x80x20000xf32, #tpu.memory_space<vmem>>, vector<1x80x20000xf32>,
    return
  }
  func.func @transform_0(%arg0: i32) -> (i32, i32, i32) {
    %c0_i32 = arith.constant 0 : i32
    %c0_i32_0 = arith.constant 0 : i32
    %c0_i32_1 = arith.constant 0 : i32
    return %arg0, %c0_i32, %c0_i32_0 : i32, i32, i32
  }
  func.func @transform_1(%arg0: i32) -> (i32, i32, i32) {
    %c0_i32 = arith.constant 0 : i32
    %c0_i32_0 = arith.constant 0 : i32
    %c0_i32_1 = arith.constant 0 : i32
    return %arg0, %c0_i32, %c0_i32_0 : i32, i32, i32
  }
  func.func @transform_2(%arg0: i32) -> (i32, i32, i32) {
    %c0_i32 = arith.constant 0 : i32
    %c0_i32_0 = arith.constant 0 : i32
    %c0_i32_1 = arith.constant 0 : i32
    return %arg0, %c0_i32, %c0_i32_0 : i32, i32, i32
  }
}

</mosaic_0001>

<sc_bundles>
// kernel: kernel.4.cloned.1.call-start
scs
__scs_entry_jumppad:
0x0: {  	(pc) =	sbr.rel $0x88, $3  }
0x1: {  	(tag) =	ssettag $0x0;
	lr =	simm.s32 $0x1  }
0x2: {  	[smem:$0x3F9D] =	sst lr;
	_ =	strace $0xD0000000  }
0x3: {  	_ = 	snop  }
0x4: {  	_ = 	snop  }
0x5: {  	_ = 	snop  }
0x6: {  	_ = 	snop  }
0x7: {  	_ = 	snop  }
__scs_overlays_trampoline_lowered:
0x8: {  	[smem:$0x3FAC] =	sst s0  }
0x9: {  	[smem:$0x3FAD] =	sst s1  }
0xa: {  	[smem:$0x3FAE] =	sst s2  }
0xb: {  	[smem:$0x3FAF] =	sst s3  }
0xc: {  	[smem:$0x3FB0] =	sst s4  }
0xd: {  	[smem:$0x3FB1] =	sst s5  }
0xe: {  	[smem:$0x3FB2] =	sst s6  }
0xf: {  	[smem:$0x3FB3] =	sst s7  }
0x10: {  	[smem:$0x3FB4] =	sst s8  }
0x11: {  	[smem:$0x3FB5] =	sst s9;
	s0 =	simm.s32 @!p0 $0x0  }
0x12: {  	s1 =	sld [smem:$0x3F9B];
	s0 =	simm.s32 @p0 $0x1  }
0x13: {  	[smem:$0x3FB6] =	sst s0;
	s0 =	simm.s32 @!p1 $0x0  }
0x14: {  	s2 =	sld [smem:$0x3F9A];
	s0 =	simm.s32 @p1 $0x1  }
0x15: {  	[smem:$0x3FB7] =	sst s0;
	s0 =	simm.s32 @!p2 $0x0  }
0x16: {  	s3 =	sld [smem:$0x3FDB];
	s0 =	simm.s32 @p2 $0x1  }
0x17: {  	s4 =	simm.s32 $0x1BF5;
	[smem:$0x3FB9] =	sst s0  }
0x18: {  	s0 =	sld [smem:$0x3F9C];
	_ =	swait.ge [sflag:s4], $0x0  }
0x19: {  	s7 =	sld [smem:$0x3F9D]  }
0x1a: {  	s8 =	sadd.s32 $0xFFFFE003, lr  }
0x1b: {  	s9 =	sadd.s32 $0xFFFFFEF7, lr;
	s5 =	simm.s32 $0xFFFFFFFF;
	p2 =	slt.u32 s8, $0xFFFFF086  }
0x1c: {  	p1 =	slt.u32 s9, $0xF7A;
	s5 =	simm.s32 @!p2 $0x0  }
0x1d: {  	s5 =	simm.s32 @p1 $0x1;
	p0 =	seq.s32 s7, s2  }
0x1e: {  	s7 =	smul.u32 @!p0 $0xF7A, s2;
	p2 =	seq.s32 @!p0 s5, $0x0  }
0x1f: {  	s9 =	smul.u32 $0xF7A, s1;
	s8 =	simm.s32 @!p0 $0x1BF5;
	p2 =	por !p2, p0  }
0x20: {  	[sflag:s8] =	ssyncset.s32 @!p0 $0xFFFFF086;
	s6 =	sadd.s32 @!p0 s3, s7;
	s7 =	simm.s32 @!p0 $0x108  }
0x21: {  	s3 =	sadd.s32 s3, s9;
	s6 =	sadd.s32 @!p0 $0x88, s6;
	s7 =	simm.s32 @p2 $0x1082  }
0x22: {  	[simem:s7], [sflag:s8] =	dma.local @!p0 [hbm:s6], $0xF7A  }
0x23: {  	s9 =	sor.u32 $0xD0000000, s2;
	s6 =	simm.s32 $0x108;
	_ =	swait.ge @!p0 [sflag:s8], $0x0  }
0x24: {  	s3 =	sadd.s32 $0x88, s3;
	s6 =	simm.s32 @!p1 $0x1082;
	[sflag:s4] =	ssyncset.s32 $0xFFFFF086  }
0x25: {  	[simem:s6], [sflag:s4] =	dma.local [hbm:s3], $0xF7A  }
0x26: {  	[smem:$0x3F9D] =	sst s1;
	(tag) =	ssettag s2;
	_ =	strace s9  }
0x27: {  	s1 =	sld [smem:$0x3FAD]  }
0x28: {  	s2 =	sld [smem:$0x3FAE]  }
0x29: {  	s4 =	sld [smem:$0x3FB0]  }
0x2a: {  	p0 =	seq.s32 s5, $0x0;
	s5 =	sld [smem:$0x3FB1]  }
0x2b: {  	s6 =	sld [smem:$0x3FB2]  }
0x2c: {  	s7 =	sld [smem:$0x3FB3]  }
0x2d: {  	s3 =	simm.s32 $0x108;
	s8 =	sld [smem:$0x3FB4]  }
0x2e: {  	s3 =	simm.s32 @!p0 $0x1082;
	s9 =	sld [smem:$0x3FB5]  }
0x2f: {  	lr =	sadd.s32 s0, s3;
	s0 =	sld [smem:$0x3FAC]  }
0x30: {  	s3 =	sld [smem:$0x3FAF]  }
0x31: {  	[smem:$0x3FB8] =	sst s10  }
0x32: {  	s10 =	sld [smem:$0x3FB6];
	_ =	sdelay $0x3  }
0x33: {  	p0 =	seq.s32 s10, $0x1;
	s10 =	sld [smem:$0x3FB8];
	_ =	sdelay $0x3  }
0x34: {  	[smem:$0x3FB8] =	sst s10  }
0x35: {  	s10 =	sld [smem:$0x3FB7];
	_ =	sdelay $0x3  }
0x36: {  	p1 =	seq.s32 s10, $0x1;
	s10 =	sld [smem:$0x3FB8];
	_ =	sdelay $0x3  }
0x37: {  	[smem:$0x3FB8] =	sst s10  }
0x38: {  	s10 =	sld [smem:$0x3FB9]  }
0x39: {  	_ = 	snop;
	(pc) =	sbr.ind lr, $3  }
0x3a: {  	_ = 	snop  }
0x3b: {  	_ = 	snop  }
0x3c: {  	p2 =	seq.s32 s10, $0x1;
	s10 =	sld [smem:$0x3FB8]  }
0x3d: {  	_ =	shalt  }
0x3e: {  	_ =	shalt  }
0x3f: {  	_ =	shalt  }
0x40: {  	_ =	shalt  }
0x41: {  	_ =	shalt  }
0x42: {  	_ =	shalt  }
0x43: {  	_ =	shalt  }
0x44: {  	_ =	shalt  }
0x45: {  	_ =	shalt  }
0x46: {  	_ =	shalt  }
0x47: {  	_ =	shalt  }
0x48: {  	_ =	shalt  }
0x49: {  	_ =	shalt  }
0x4a: {  	_ =	shalt  }
0x4b: {  	_ =	shalt  }
0x4c: {  	_ =	shalt  }
0x4d: {  	_ =	shalt  }
0x4e: {  	_ =	shalt  }
0x4f: {  	_ =	shalt  }
0x50: {  	_ =	shalt  }
0x51: {  	_ =	shalt  }
0x52: {  	_ =	shalt  }
0x53: {  	_ =	shalt  }
0x54: {  	_ =	shalt  }
0x55: {  	_ =	shalt  }
0x56: {  	_ =	shalt  }
0x57: {  	_ =	shalt  }
0x58: {  	_ =	shalt  }
0x59: {  	_ =	shalt  }
0x5a: {  	_ =	shalt  }
0x5b: {  	_ =	shalt  }
0x5c: {  	_ =	shalt  }
0x5d: {  	_ =	shalt  }
0x5e: {  	_ =	shalt  }
0x5f: {  	_ =	shalt  }
0x60: {  	_ =	shalt  }
0x61: {  	_ =	shalt  }
0x62: {  	_ =	shalt  }
0x63: {  	_ =	shalt  }
0x64: {  	_ =	shalt  }
0x65: {  	_ =	shalt  }
0x66: {  	_ =	shalt  }
0x67: {  	_ =	shalt  }
0x68: {  	_ =	shalt  }
0x69: {  	_ =	shalt  }
0x6a: {  	_ =	shalt  }
0x6b: {  	_ =	shalt  }
0x6c: {  	_ =	shalt  }
0x6d: {  	_ =	shalt  }
0x6e: {  	_ =	shalt  }
0x6f: {  	_ =	shalt  }
0x70: {  	_ =	shalt  }
0x71: {  	_ =	shalt  }
0x72: {  	_ =	shalt  }
0x73: {  	_ =	shalt  }
0x74: {  	_ =	shalt  }
0x75: {  	_ =	shalt  }
0x76: {  	_ =	shalt  }
0x77: {  	_ =	shalt  }
0x78: {  	_ =	shalt  }
0x79: {  	_ =	shalt  }
0x7a: {  	_ =	shalt  }
0x7b: {  	_ =	shalt  }
0x7c: {  	_ =	shalt  }
0x7d: {  	_ =	shalt  }
0x7e: {  	_ =	shalt  }
0x7f: {  	_ =	shalt  }
0x80: {  	_ =	shalt  }
0x81: {  	_ =	shalt  }
0x82: {  	_ =	shalt  }
0x83: {  	_ =	shalt  }
0x84: {  	_ =	shalt  }
0x85: {  	_ =	shalt  }
0x86: {  	_ =	shalt  }
0x87: {  	_ =	shalt  }
.Lfunc_end0:
.L_simem_size_0:
called_computation_lowered:
.L_overlay_start_0:
0x88: {  	s2 =	sld [smem:$0x3FD9]  }
0x89: {  	s3 =	sld [smem:$0x3FFE];
	_ =	sdelay $0x1  }
0x8a: {  	s1 =	srdreg.scid  }
0x8b: {  	s0 =	sand.u32 $0x1, s1  }
0x8c: {  	s15 =	sshll.u32 s0, $0xA;
	s2 =	sadd.s32 s3, s2  }
0x8d: {  	s2 =	sadd.s32 s2, s15  }
0x8e: {  	[smem:$0x3FC4] =	sst s2  }
0x8f: {  	_ = 	snop  }
0x90: {  	s2 =	sld [smem:$0x3FD0];
	_ =	sdelay $0x1  }
0x91: {  	s16 =	sld [smem:$0x3FC8]  }
0x92: {  	s5 =	simm.s32 $0xA;
	s6 =	simm.s32 $0x10;
	s4 =	sld [smem:$0x3FC7]  }
0x93: {  	[smem:s6], [sflag:s5] =	dma.local [hbm:s2], $0x1  }
0x94: {  	_ =	swait.eq [sflag:s5], $0x1  }
0x95: {  	[sflag:s5] =	ssyncset.done $0x0  }
0x96: {  	[sflag:s5] =	ssyncadd.s32 $0xFFFFFFFF  }
0x97: {  	s17 =	sld [smem:$0x11];
	(tm) =	ssettm $0x1  }
0x98: {  	s18 =	sld [smem:$0x3FFB];
	_ =	sdelay $0x3  }
0x99: {  	_ =	strace s18  }
0x9a: {  	s5 =	sld [smem:$0x3FFC];
	_ =	sdelay $0x3  }
0x9b: {  	_ =	strace s5  }
0x9c: {  	s5 =	sld [smem:$0x3FFD];
	_ =	sdelay $0x3  }
0x9d: {  	_ =	strace s5  }
0x9e: {  	_ =	strace $0x8FFFFFFF  }
0x9f: {  	s19 =	sld [smem:$0x3FDB];
	_ =	sdelay $0x1  }
0xa0: {  	s20 =	simm.s32 $_scs_section_size  }
0xa1: {  	s7 =	simm.s32 $_size__tile_overlayer_lowered;
	s8 =	simm.s32 $_tile_overlayer_lowered  }
0xa2: {  	s23 =	simm.s32 $0x1BFF;
	s22 =	sshll.u32 s8, $0x1;
	s5 =	sadd.s32 s20, s19  }
0xa3: {  	s9 =	simm.s32 $0x0;
	s21 =	sshll.u32 s7, $0x1;
	s7 =	sadd.s32 s22, s5  }
0xa4: {  	[timem:s9], [sflag:s23] =	dma.local [hbm:s7], s21  }
0xa5: {  	_ =	swait.ge [sflag:s23], s21  }
0xa6: {  	s6 =	ssub.s32 $0x0, s21;
	[sflag:s23] =	ssyncset.done $0x0  }
0xa7: {  	[sflag:s23] =	ssyncadd.s32 s6;
	_ =	sdelay $0x1  }
0xa8: {  	s24 =	simm.s32 $0x1B8B  }
0xa9: {  	_ =	swait.ge [sflag:s24], $0x1  }
0xaa: {  	[sflag:s24] =	ssyncset.done $0x0  }
0xab: {  	s25 =	simm.s32 $0x1B8E;
	[sflag:s24] =	ssyncadd.s32 $0xFFFFFFFF  }
0xac: {  	s26 =	simm.s32 $execute0_lowered;
	[smem:$0x3FD2] =	sst s25  }
0xad: {  	s6 =	sshll.u32 s26, $0x1;
	_ =	strace $0x80000046;
	[dreg:$0x1] =	wrdreg $0xFFFFFFFF  }
0xae: {  	s28 =	simm.s32 $_size_execute0_lowered;
	s5 =	sadd.s32 s5, s6;
	[dreg:$0x0] =	wrdreg $0x0  }
0xaf: {  	s6 =	sshll.u32 s28, $0x1;
	[dreg:$0x2] =	wrdreg s5  }
0xb0: {  	[dreg:$0x3] =	wrdreg s6  }
0xb1: {  	[dreg:$0x4] =	wrdreg $0xC0  }
0xb2: {  	_ =	task [dreg:s9], $0x5FFFF  }
0xb3: {  	[dreg:$0x1] =	wrdreg $0xFFFFFFFF  }
0xb4: {  	[dreg:$0x0] =	wrdreg $0x60  }
0xb5: {  	[dreg:$0x2] =	wrdreg s16  }
0xb6: {  	[dreg:$0x3] =	wrdreg s4  }
0xb7: {  	[dreg:$0x4] =	wrdreg s17  }
0xb8: {  	[dreg:$0x5] =	wrdreg $0x9  }
0xb9: {  	_ =	task.clear_ibuf [dreg:s9], $0x6FFFF;
	_ =	strace $0x90000046  }
0xba: {  	s29 =	simm.s32 $0x9;
	_ =	strace $0x80000048  }
0xbb: {  	_ =	swait.ge [sflag:s29], $0x1  }
0xbc: {  	[sflag:s29] =	ssyncadd.s32 $0xFFFFFFFF  }
0xbd: {  	_ =	strace $0x90000048  }
0xbe: {  	_ =	sfence  }
0xbf: {  	s30 =	sld [smem:$0x0];
	_ =	sdelay $0x2  }
0xc0: {  	s31 =	sshll.u32 s1, $0xD;
	s1 =	sshrl.u32 s1, $0x2  }
0xc1: {  	s3 =	sand.u32 $0x4000, s31;
	s1 =	sadd.s32 s1, s30  }
0xc2: {  	s0 =	sor.u32 s3, s0;
	s1 =	sshll.u32 s1, $0x11  }
0xc3: {  	s0 =	sor.u32 s1, s0  }
0xc4: {  	s0 =	sadd.s32 $0x8F2B, s0  }
0xc5: {  	[sflag:s0] =	ssyncadd.remote.s32 $0x1  }
0xc6: {  	_ =	sfence.sel $0xFFFF  }
0xc7: {  	[dreg:$0x0] =	wrdreg $0xFFFFFFFF;
	(pc) =	sbr.abs _section_cstart, $3  }
0xc8: {  	[dreg:$0x1] =	wrdreg $0xFFFFFFFF  }
0xc9: {  	_ =	task.clear_ibuf [dreg:s9], $0x2FFFF;
	_ =	strace $0x9FFFFFFF  }
0xca: {  	(tm) =	ssettm $0x7FFFFFFF  }
0xcb: {  	_ =	shalt  }
tec
execute0_lowered:
.L_overlay_start_1:
0x0: {  	(tag) =	ssettag $0x1  }
0x1: {  	s3 =	rddreg [dreg:$0x0]  }
0x2: {  	s4 =	rddreg [dreg:$0x1];
	s0 =	stileid.u32  }
0x3: {  	s5 =	rddreg [dreg:$0x2];
	s1 =	srdreg.scid;
	s12 =	simm.s32 $0x9D00  }
0x4: {  	s13 =	simm.s32 $0x0;
	s2 =	sshll.u32 s0, $0x1;
	s6 =	sand.u32 $0x1, s1  }
0x5: {  	s30 =	sshrl.u32 s0, $0x1;
	s1 =	rddreg [dreg:$0x3];
	s7 =	sand.u32 $0x2, s2  }
0x6: {  	s9 =	smul.u32 $0x13A00, s30;
	s2 =	simm.s32 $0x0;
	s10 =	ssub.s32 $0x2, s6  }
0x7: {  	s8 =	sor.u32 s6, s7;
	[smem:$0x7FF] =	sst s2;
	s11 =	sshrl.u32 s10, $0x1  }
0x8: {  	s6 =	sshll.u32 s6, $0x4;
	p0 =	seq.s32 s7, $0x0;
	s7 =	simm.s32 $0x80  }
0x9: {  	s8 =	sshll.u32 s8, $0x7;
	_ =	strace $0x80000047;
	s31 =	ssub.s32 s10, s11  }
0xa: {  	s11 =	simm.f32 $-1.000000000e+00;
	s4 =	sadd.s32 s4, s6;
	s10 =	simm.s32 $0x100  }
0xb: {  	s8 =	sor.u32 s9, s8;
	s11 =	simm.s32 @!p0 $0x3F800000;
	s6 =	smax.u32 s31, $0x1  }
0xc: {  	s9 =	simm.s32 $0x1;
	s8 =	sshrl.u32 s8, $0x3;
	v0 =	vmov s11;
	s11 =	simm.s32 $0x4E80  }
0xd: {  	s3 =	sadd.s32 s3, s8;
	s5 =	sadd.s32 s5, s8;
	s8 =	simm.s32 $0x200  }
.LBB2_1:
0xe: {  	[tilespmem:s2], [sflag:$0x1] =	stream.strided.gather [hbm4b:s3+s7], $0x4E80, s8, s7, $0x38;
	[tilespmem:$0xEB80] =	vst v63  }
0xf: {  	_ =	swait.ge [sflag:s9], $0x4E80  }
0x10: {  	[sflag:s9] =	ssyncset.done $0x0  }
0x11: {  	[sflag:s9] =	ssyncadd.s32 $0xFFFFB180  }
0x12: {  	[tilespmem:s11], [sflag:$0x1] =	stream.strided.gather [hbm4b:s4+s7], $0x4E80, s10, s7, $0x38;
	[tilespmem:$0xEB80] =	vst v63  }
0x13: {  	_ =	swait.ge [sflag:s9], $0x4E80  }
0x14: {  	[sflag:s9] =	ssyncset.done $0x0  }
0x15: {  	s14 =	simm.s32 $0x50;
	[sflag:s9] =	ssyncadd.s32 $0xFFFFB180  }
0x16: {  	v1 =	vld [tilespmem:s14+$0xFFFFFFB0]  }
0x17: {  	s15 =	simm.s32 $0x4ED0  }
0x18: {  	v2 =	vld [tilespmem:s15+$0xFFFFFFB0];
	_ =	sdelay $0x2  }
0x19: {  	v1 =	vmul.f32 v1, v0;
	_ =	sdelay $0x1  }
0x1a: {  	v1 =	vadd.f32 v1, v2;
	_ =	sdelay $0x1  }
0x1b: {  	v1 =	vmax.f32 v1, $0.0e+00  }
0x1c: {  	s16 =	simm.s32 $0x9D50;
	v1 =	vmin.f32 v1, $1.000000000e+00  }
0x1d: {  	[tilespmem:s16+$0xFFFFFFB0] =	vst v1  }
0x1e: {  	v1 =	vld [tilespmem:s14+$0xFFFFFFC0];
	_ =	sdelay $0x1  }
0x1f: {  	v2 =	vld [tilespmem:s15+$0xFFFFFFC0];
	_ =	sdelay $0x2  }
0x20: {  	v1 =	vmul.f32 v1, v0;
	_ =	sdelay $0x1  }
0x21: {  	v1 =	vadd.f32 v1, v2;
	_ =	sdelay $0x1  }
0x22: {  	v1 =	vmax.f32 v1, $0.0e+00  }
0x23: {  	v1 =	vmin.f32 v1, $1.000000000e+00  }
0x24: {  	[tilespmem:s16+$0xFFFFFFC0] =	vst v1  }
0x25: {  	v1 =	vld [tilespmem:s14+$0xFFFFFFD0];
	_ =	sdelay $0x1  }
0x26: {  	v2 =	vld [tilespmem:s15+$0xFFFFFFD0];
	_ =	sdelay $0x2  }
0x27: {  	v1 =	vmul.f32 v1, v0;
	_ =	sdelay $0x1  }
0x28: {  	v1 =	vadd.f32 v1, v2;
	_ =	sdelay $0x1  }
0x29: {  	v1 =	vmax.f32 v1, $0.0e+00  }
0x2a: {  	v1 =	vmin.f32 v1, $1.000000000e+00  }
0x2b: {  	[tilespmem:s16+$0xFFFFFFD0] =	vst v1  }
0x2c: {  	v1 =	vld [tilespmem:s14+$0xFFFFFFE0];
	_ =	sdelay $0x1  }
0x2d: {  	v2 =	vld [tilespmem:s15+$0xFFFFFFE0];
	_ =	sdelay $0x2  }
0x2e: {  	v1 =	vmul.f32 v1, v0;
	_ =	sdelay $0x1  }
0x2f: {  	v1 =	vadd.f32 v1, v2;
	_ =	sdelay $0x1  }
0x30: {  	v1 =	vmax.f32 v1, $0.0e+00  }
0x31: {  	v1 =	vmin.f32 v1, $1.000000000e+00  }
0x32: {  	[tilespmem:s16+$0xFFFFFFE0] =	vst v1  }
0x33: {  	v1 =	vld [tilespmem:s14+$0xFFFFFFF0];
	_ =	sdelay $0x1  }
0x34: {  	v2 =	vld [tilespmem:s15+$0xFFFFFFF0];
	_ =	sdelay $0x2  }
0x35: {  	v1 =	vmul.f32 v1, v0;
	_ =	sdelay $0x1  }
0x36: {  	v1 =	vadd.f32 v1, v2;
	_ =	sdelay $0x1  }
0x37: {  	v1 =	vmax.f32 v1, $0.0e+00  }
0x38: {  	v1 =	vmin.f32 v1, $1.000000000e+00  }
0x39: {  	[tilespmem:s16+$0xFFFFFFF0] =	vst v1  }
0x3a: {  	v1 =	vld [tilespmem:s14+$0x0];
	_ =	sdelay $0x1  }
0x3b: {  	v2 =	vld [tilespmem:s15+$0x0];
	_ =	sdelay $0x2  }
0x3c: {  	v1 =	vmul.f32 v1, v0;
	_ =	sdelay $0x1  }
0x3d: {  	v1 =	vadd.f32 v1, v2;
	_ =	sdelay $0x1  }
0x3e: {  	v1 =	vmax.f32 v1, $0.0e+00  }
0x3f: {  	v1 =	vmin.f32 v1, $1.000000000e+00  }
0x40: {  	[tilespmem:s16+$0x0] =	vst v1  }
0x41: {  	v1 =	vld [tilespmem:s14+$0x10];
	_ =	sdelay $0x1  }
0x42: {  	v2 =	vld [tilespmem:s15+$0x10];
	_ =	sdelay $0x2  }
0x43: {  	v1 =	vmul.f32 v1, v0;
	_ =	sdelay $0x1  }
0x44: {  	v1 =	vadd.f32 v1, v2;
	_ =	sdelay $0x1  }
0x45: {  	v1 =	vmax.f32 v1, $0.0e+00  }
0x46: {  	v1 =	vmin.f32 v1, $1.000000000e+00  }
0x47: {  	[tilespmem:s16+$0x10] =	vst v1  }
0x48: {  	v1 =	vld [tilespmem:s14+$0x20];
	_ =	sdelay $0x1  }
0x49: {  	v2 =	vld [tilespmem:s15+$0x20];
	_ =	sdelay $0x2  }
0x4a: {  	v1 =	vmul.f32 v1, v0;
	_ =	sdelay $0x1  }
0x4b: {  	v1 =	vadd.f32 v1, v2;
	_ =	sdelay $0x1  }
0x4c: {  	v1 =	vmax.f32 v1, $0.0e+00  }
0x4d: {  	v1 =	vmin.f32 v1, $1.000000000e+00  }
0x4e: {  	s17 =	sand.u32 $0x7FE0, s2;
	[tilespmem:s16+$0x20] =	vst v1  }
0x4f: {  	v1 =	vld [tilespmem:s17+$0x80];
	_ =	sdelay $0x1  }
0x50: {  	v2 =	vld [tilespmem:s17+$0x4F00];
	_ =	sdelay $0x2  }
0x51: {  	v1 =	vmul.f32 v1, v0;
	_ =	sdelay $0x1  }
0x52: {  	v1 =	vadd.f32 v1, v2;
	_ =	sdelay $0x1  }
0x53: {  	v1 =	vmax.f32 v1, $0.0e+00  }
0x54: {  	v1 =	vmin.f32 v1, $1.000000000e+00  }
0x55: {  	[tilespmem:s17+$0x9D80] =	vst v1  }
0x56: {  	v1 =	vld [tilespmem:s14+$0x40];
	_ =	sdelay $0x1  }
0x57: {  	v2 =	vld [tilespmem:s15+$0x40];
	_ =	sdelay $0x2  }
0x58: {  	v1 =	vmul.f32 v1, v0;
	_ =	sdelay $0x1  }
0x59: {  	v1 =	vadd.f32 v1, v2;
	_ =	sdelay $0x1  }
0x5a: {  	v1 =	vmax.f32 v1, $0.0e+00  }
0x5b: {  	s17 =	simm.s32 $0xA0;
	v1 =	vmin.f32 v1, $1.000000000e+00  }
.LBB2_2:
0x5c: {  	[tilespmem:s16+$0x40] =	vst v1;
	s16 =	sadd.s32 $0xA0, s16;
	s14 =	sadd.s32 $0xA0, s14;
	s15 =	sadd.s32 $0xA0, s15  }
0x5d: {  	p0 =	sne.s32 s17, $0x4D80;
	s18 =	smov.u32 s17;
	s17 =	sadd.s32 $0xA0, s17;
	v1 =	vld [tilespmem:s14+$0xFFFFFFB0]  }
0x5e: {  	_ = 	snop  }
0x5f: {  	v2 =	vld [tilespmem:s15+$0xFFFFFFB0];
	_ =	sdelay $0x2  }
0x60: {  	v1 =	vmul.f32 v1, v0;
	_ =	sdelay $0x1  }
0x61: {  	v1 =	vadd.f32 v1, v2;
	_ =	sdelay $0x1  }
0x62: {  	v1 =	vmax.f32 v1, $0.0e+00  }
0x63: {  	v1 =	vmin.f32 v1, $1.000000000e+00  }
0x64: {  	[tilespmem:s16+$0xFFFFFFB0] =	vst v1  }
0x65: {  	v1 =	vld [tilespmem:s14+$0xFFFFFFC0];
	_ =	sdelay $0x1  }
0x66: {  	v2 =	vld [tilespmem:s15+$0xFFFFFFC0];
	_ =	sdelay $0x2  }
0x67: {  	v1 =	vmul.f32 v1, v0;
	_ =	sdelay $0x1  }
0x68: {  	v1 =	vadd.f32 v1, v2;
	_ =	sdelay $0x1  }
0x69: {  	v1 =	vmax.f32 v1, $0.0e+00  }
0x6a: {  	v1 =	vmin.f32 v1, $1.000000000e+00  }
0x6b: {  	[tilespmem:s16+$0xFFFFFFC0] =	vst v1  }
0x6c: {  	v1 =	vld [tilespmem:s14+$0xFFFFFFD0];
	_ =	sdelay $0x1  }
0x6d: {  	v2 =	vld [tilespmem:s15+$0xFFFFFFD0];
	_ =	sdelay $0x2  }
0x6e: {  	v1 =	vmul.f32 v1, v0;
	_ =	sdelay $0x1  }
0x6f: {  	v1 =	vadd.f32 v1, v2;
	_ =	sdelay $0x1  }
0x70: {  	v1 =	vmax.f32 v1, $0.0e+00  }
0x71: {  	v1 =	vmin.f32 v1, $1.000000000e+00  }
0x72: {  	[tilespmem:s16+$0xFFFFFFD0] =	vst v1  }
0x73: {  	v1 =	vld [tilespmem:s14+$0xFFFFFFE0];
	_ =	sdelay $0x1  }
0x74: {  	v2 =	vld [tilespmem:s15+$0xFFFFFFE0];
	_ =	sdelay $0x2  }
0x75: {  	v1 =	vmul.f32 v1, v0;
	_ =	sdelay $0x1  }
0x76: {  	v1 =	vadd.f32 v1, v2;
	_ =	sdelay $0x1  }
0x77: {  	v1 =	vmax.f32 v1, $0.0e+00  }
0x78: {  	v1 =	vmin.f32 v1, $1.000000000e+00  }
0x79: {  	[tilespmem:s16+$0xFFFFFFE0] =	vst v1  }
0x7a: {  	v1 =	vld [tilespmem:s14+$0xFFFFFFF0];
	_ =	sdelay $0x1  }
0x7b: {  	v2 =	vld [tilespmem:s15+$0xFFFFFFF0];
	_ =	sdelay $0x2  }
0x7c: {  	v1 =	vmul.f32 v1, v0;
	_ =	sdelay $0x1  }
0x7d: {  	v1 =	vadd.f32 v1, v2;
	_ =	sdelay $0x1  }
0x7e: {  	v1 =	vmax.f32 v1, $0.0e+00  }
0x7f: {  	v1 =	vmin.f32 v1, $1.000000000e+00  }
0x80: {  	[tilespmem:s16+$0xFFFFFFF0] =	vst v1  }
0x81: {  	v1 =	vld [tilespmem:s14+$0x0];
	_ =	sdelay $0x1  }
0x82: {  	v2 =	vld [tilespmem:s15+$0x0];
	_ =	sdelay $0x2  }
0x83: {  	v1 =	vmul.f32 v1, v0;
	_ =	sdelay $0x1  }
0x84: {  	v1 =	vadd.f32 v1, v2;
	_ =	sdelay $0x1  }
0x85: {  	v1 =	vmax.f32 v1, $0.0e+00  }
0x86: {  	v1 =	vmin.f32 v1, $1.000000000e+00  }
0x87: {  	[tilespmem:s16+$0x0] =	vst v1  }
0x88: {  	v1 =	vld [tilespmem:s14+$0x10]  }
0x89: {  	v2 =	vld [tilespmem:s15+$0x10];
	_ =	sdelay $0x3  }
0x8a: {  	v1 =	vmul.f32 v1, v0;
	_ =	sdelay $0x1  }
0x8b: {  	v1 =	vadd.f32 v1, v2;
	_ =	sdelay $0x1  }
0x8c: {  	v1 =	vmax.f32 v1, $0.0e+00  }
0x8d: {  	v1 =	vmin.f32 v1, $1.000000000e+00  }
0x8e: {  	[tilespmem:s16+$0x10] =	vst v1  }
0x8f: {  	v1 =	vld [tilespmem:s14+$0x20]  }
0x90: {  	v2 =	vld [tilespmem:s15+$0x20];
	_ =	sdelay $0x3  }
0x91: {  	v1 =	vmul.f32 v1, v0;
	_ =	sdelay $0x1  }
0x92: {  	v1 =	vadd.f32 v1, v2;
	_ =	sdelay $0x1  }
0x93: {  	v1 =	vmax.f32 v1, $0.0e+00  }
0x94: {  	v1 =	vmin.f32 v1, $1.000000000e+00  }
0x95: {  	s18 =	sand.u32 $0x7FE0, s18;
	[tilespmem:s16+$0x20] =	vst v1  }
0x96: {  	v1 =	vld [tilespmem:s18+$0x80]  }
0x97: {  	v2 =	vld [tilespmem:s18+$0x4F00];
	_ =	sdelay $0x3  }
0x98: {  	v1 =	vmul.f32 v1, v0;
	_ =	sdelay $0x1  }
0x99: {  	v1 =	vadd.f32 v1, v2;
	_ =	sdelay $0x1  }
0x9a: {  	v1 =	vmax.f32 v1, $0.0e+00  }
0x9b: {  	v1 =	vmin.f32 v1, $1.000000000e+00  }
0x9c: {  	[tilespmem:s18+$0x9D80] =	vst v1  }
0x9d: {  	v1 =	vld [tilespmem:s14+$0x40]  }
0x9e: {  	v2 =	vld [tilespmem:s15+$0x40];
	_ =	sdelay $0x3  }
0x9f: {  	v1 =	vmul.f32 v1, v0  }
.Ltmp0:
0xa0: {  	(pc) =	sbr.rel @p0 .LBB2_2-.Ltmp0, $3  }
0xa1: {  	v1 =	vadd.f32 v1, v2;
	_ =	sdelay $0x1  }
0xa2: {  	v1 =	vmax.f32 v1, $0.0e+00  }
0xa3: {  	v1 =	vmin.f32 v1, $1.000000000e+00  }
0xa4: {  	s13 =	sadd.s32 $0x1, s13  }
0xa5: {  	p0 =	sne.s32 s13, s6  }
.Ltmp1:
0xa6: {  	[tilespmem:s16+$0x40] =	vst v1;
	(pc) =	sbr.rel @p0 .LBB2_1-.Ltmp1, $4  }
0xa7: {  	[hbm4b:s5+s7] =	stream.strided.scatter [tilespmem:s12], [sflag:$0x1], $0x4E80, s8, s7, $0x38;
	[tilespmem:$0xEB80] =	vst v63  }
0xa8: {  	_ =	swait.ge [sflag:s9], $0x4E80  }
0xa9: {  	[sflag:s9] =	ssyncset.done $0x0  }
0xaa: {  	[sflag:s9] =	ssyncadd.s32 $0xFFFFB180  }
0xab: {  	_ =	sfence.sel $0x180000  }
0xac: {  	[bflag:$0x0] =	sbarrier.arrive $0xFFFF  }
0xad: {  	p0 =	sne.s32 s0, $0x0;
	_ =	strace $0x90000047  }
0xae: {  	s0 =	sadd.s32 @!p0 $0x100000, s1;
	[bflag:$0x2] =	sbarrier.arrive $0xFFFF  }
0xaf: {  	[sflag:s0] =	ssyncadd.tile.s32 @!p0 $0x1;
	_ =	shalt  }
.Lfunc_end2:
_tile_overlayer_lowered:
.L_overlay_start_2:
0xb0: {  	(tag) =	ssettag $0x2  }
0xb1: {  	s0 =	rddreg [dreg:$0x0];
	s2 =	stileid.u32  }
0xb2: {  	s1 =	rddreg [dreg:$0x1];
	p0 =	sne.s32 s2, $0x0  }
0xb3: {  	s3 =	rddreg [dreg:$0x2];
	[bflag:$0x3] =	sbarrier.arrive $0xFFFF;
	s2 =	simm.s32 @!p0 $0x1C01  }
0xb4: {  	[timem:s3], [sflag:s2] =	dma.local @!p0 [hbm:s0], s1  }
0xb5: {  	s0 =	simm.s32 @!p0 $0x1  }
0xb6: {  	_ =	swait.ge @!p0 [sflag:s0], s1  }
0xb7: {  	s1 =	ssub.s32 @!p0 $0x0, s1;
	[sflag:s0] =	ssyncset.done @!p0 $0x0  }
0xb8: {  	[sflag:s0] =	ssyncadd.s32 @!p0 s1  }
0xb9: {  	[bflag:$0x3] =	sbarrier.arrive $0xFFFF  }
0xba: {  	_ =	shalt  }

</sc_bundles>
